<compile_context>
chip_gen: v7x
topology: tpu7x:2x2x1
jax: 0.10.2.dev20260603
libtpu: 0.0.44.dev20260713+nightly
codegen_flags: <defaults>
</compile_context>

<pallas_src>
import numpy as np
import jax
import jax.numpy as jnp
from jax import lax
from jax.experimental import pallas as pl
from jax.experimental.pallas import tpu as pltpu
from jax.experimental.pallas import tpu_sc as plsc

_S = 8192
_I = 1000
_C = 50
_G = 20
_D = 128
_BS = 1024
_NW = 32
_BW = _S // _NW

_SEG = np.arange(_I) // _G
_MSUM_NP = (_SEG[:, None] == np.arange(_C)[None, :]).astype(np.float32)
_MEXP_NP = _MSUM_NP.T.copy()
_MSEL_NP = (np.arange(_C)[:, None] * _G ==
            np.arange(_BS)[None, :]).astype(np.float32)


def _sc_gather_body(t1_hbm, t2_hbm, idx_hbm, o1_hbm, o2_hbm,
                    idx_v, r1_v, r2_v, s1, s2):
    wid = lax.axis_index("s") * 2 + lax.axis_index("c")
    base = wid * _BW
    pltpu.sync_copy(idx_hbm.at[pl.ds(base, _BW)], idx_v)
    g1 = pltpu.async_copy(t1_hbm.at[idx_v], r1_v, s1)
    g2 = pltpu.async_copy(t2_hbm.at[idx_v], r2_v, s2)
    g1.wait()
    w1 = pltpu.async_copy(r1_v, o1_hbm.at[pl.ds(base, _BW)], s1)
    g2.wait()
    w2 = pltpu.async_copy(r2_v, o2_hbm.at[pl.ds(base, _BW)], s2)
    w1.wait()
    w2.wait()


def _sc_gather(t1, t2, idx):
    mesh = plsc.VectorSubcoreMesh(core_axis_name="c", subcore_axis_name="s")
    k = pl.kernel(
        _sc_gather_body,
        out_type=[
            jax.ShapeDtypeStruct((_S, _D), jnp.float32),
            jax.ShapeDtypeStruct((_S, _D), jnp.float32),
        ],
        mesh=mesh,
        scratch_types=[
            pltpu.VMEM((_BW,), jnp.int32),
            pltpu.VMEM((_BW, _D), jnp.float32),
            pltpu.VMEM((_BW, _D), jnp.float32),
            pltpu.SemaphoreType.DMA,
            pltpu.SemaphoreType.DMA,
        ],
    )
    return k(t1, t2, idx)


def _hi_lo(x):
    hi = x.astype(jnp.bfloat16)
    lo = (x - hi.astype(jnp.float32)).astype(jnp.bfloat16)
    return hi, lo


def _exact_sel_dot(m, x):
    hi, lo = _hi_lo(x)
    return (jnp.dot(m, hi, preferred_element_type=jnp.float32)
            + jnp.dot(m, lo, preferred_element_type=jnp.float32))


def _tc_body(tu_ref, tc_ref, ai_ref, ac_ref, lam_ref,
             msum_ref, mexp_ref, msel_ref, out_ref,
             aTs_ref, acTs_ref, lsec_ref):
    f32 = jnp.float32
    bf16 = jnp.bfloat16

    @pl.when(pl.program_id(0) == 0)
    def _prologue():
        il_hi, il_lo = _hi_lo(jnp.transpose(1.0 / lam_ref[...]))
        invl = (jnp.dot(msum_ref[...], il_hi, preferred_element_type=f32)
                + jnp.dot(msum_ref[...], il_lo, preferred_element_type=f32))
        aTs_ref[...] = jnp.transpose(ai_ref[...] * invl).astype(bf16)
        acTs_ref[...] = jnp.transpose(ac_ref[...]).astype(bf16)
        msel = msel_ref[...].astype(bf16)
        tus = _exact_sel_dot(msel, tu_ref[...])
        tcs = _exact_sel_dot(msel, tc_ref[...])
        ys = jnp.dot(tus.astype(bf16), aTs_ref[...],
                     preferred_element_type=f32)
        ssum = jnp.dot(jnp.exp(ys).astype(bf16), msum_ref[...],
                       preferred_element_type=f32)
        inc = jnp.log(ssum)
        w = jnp.dot(tcs.astype(bf16), acTs_ref[...],
                    preferred_element_type=f32)
        logit = w + lam_ref[...] * inc
        lsec_ref[...] = jnp.log(jnp.sum(jnp.exp(logit), axis=0, keepdims=True))

    tu = tu_ref[...].astype(bf16)
    ys = jnp.dot(tu, aTs_ref[...], preferred_element_type=f32)
    ssum = jnp.dot(jnp.exp(ys).astype(bf16), msum_ref[...],
                   preferred_element_type=f32)
    inc = jnp.log(ssum)
    w = jnp.dot(tc_ref[...].astype(bf16), acTs_ref[...],
                preferred_element_type=f32)
    a = (lam_ref[...] - 1.0) * inc + w - lsec_ref[...]
    mu = jnp.mean(a, axis=1, keepdims=True)
    aexp = jnp.dot((a - mu).astype(bf16), mexp_ref[...],
                   preferred_element_type=f32)
    out_ref[...] = (ys + mu) + aexp


def _tc_grid_args():
    full = lambda b: (0, 0)
    in_specs = [
        pl.BlockSpec((_BS, _D), lambda b: (b, 0)),
        pl.BlockSpec((_BS, _D), lambda b: (b, 0)),
        pl.BlockSpec((_I, _D), full),
        pl.BlockSpec((_C, _D), full),
        pl.BlockSpec((1, _C), full),
        pl.BlockSpec((_I, _C), full),
        pl.BlockSpec((_C, _I), full),
        pl.BlockSpec((_C, _BS), full),
    ]
    return dict(
        grid=(_S // _BS,),
        in_specs=in_specs,
        out_specs=pl.BlockSpec((_BS, _I), lambda b: (b, 0)),
        out_shape=jax.ShapeDtypeStruct((_S, _I), jnp.float32),
        scratch_shapes=[pltpu.VMEM((_D, _I), jnp.bfloat16),
                        pltpu.VMEM((_D, _C), jnp.bfloat16),
                        pltpu.VMEM((1, _C), jnp.float32)],
    )


def kernel(user_index, theta_user_item, alpha_item, theta_user_cat,
           alpha_category, lambda_weight):
    idx = user_index.astype(jnp.int32)
    tu_g, tc_g = _sc_gather(theta_user_item, theta_user_cat, idx)
    lam = lambda_weight.reshape(1, _C)
    msum = jnp.asarray(_MSUM_NP).astype(jnp.bfloat16)
    mexp = jnp.asarray(_MEXP_NP).astype(jnp.bfloat16)
    msel = jnp.asarray(_MSEL_NP)
    return pl.pallas_call(_tc_body, **_tc_grid_args())(
        tu_g, tc_g, alpha_item, alpha_category, lam, msum, mexp, msel)

# --- scband reference (transcript-rebuilt; emitter-appended) ---
"""Pipeline reference for scband-nested-bemb-19069654794315 (READ-ONLY COPY).

The authoritative reference and input builder live on the scoring server;
editing this copy changes nothing except your own understanding.
"""

import jax, jax.numpy as jnp
import numpy as np

NUM_USERS = 100000
NUM_ITEMS = 1000
NUM_CATEGORIES = 50
ITEMS_PER_CATEGORY = 20
LATENT_DIM_ITEM = 128
LATENT_DIM_CATEGORY = 128
NUM_SESSIONS = 8192


def setup_inputs(seed: int = 0) -> dict:
    key = jax.random.key(seed)
    k1, k2, k3, k4, k5, k6 = jax.random.split(key, 6)
    user_index = jax.random.randint(k1, (NUM_SESSIONS,), 0, NUM_USERS)
    theta_user_item = jax.random.normal(k2, (NUM_USERS, LATENT_DIM_ITEM), dtype=jnp.float32) * 0.1
    alpha_item = jax.random.normal(k3, (NUM_ITEMS, LATENT_DIM_ITEM), dtype=jnp.float32) * 0.1
    theta_user_cat = jax.random.normal(k4, (NUM_USERS, LATENT_DIM_CATEGORY), dtype=jnp.float32) * 0.1
    alpha_category = jax.random.normal(k5, (NUM_CATEGORIES, LATENT_DIM_CATEGORY), dtype=jnp.float32) * 0.1
    lambda_weight = jax.random.uniform(k6, (NUM_CATEGORIES,), minval=0.2, maxval=1.0, dtype=jnp.float32)
    return {
        "user_index": user_index,
        "theta_user_item": theta_user_item,
        "alpha_item": alpha_item,
        "theta_user_cat": theta_user_cat,
        "alpha_category": alpha_category,
        "lambda_weight": lambda_weight,
    }


def _segment_logsumexp(x, seg_ids, num_segments):
    # x: [N, S]; numerically stable per-segment logsumexp over leading axis.
    m = jax.ops.segment_max(x, seg_ids, num_segments=num_segments, indices_are_sorted=True)
    m = jax.lax.stop_gradient(m)
    m = jnp.where(jnp.isfinite(m), m, 0.0)
    s = jax.ops.segment_sum(jnp.exp(x - m[seg_ids]), seg_ids, num_segments=num_segments, indices_are_sorted=True)
    return m + jnp.log(s)


def reference(user_index, theta_user_item, alpha_item, theta_user_cat, alpha_category, lambda_weight):
    # category_to_item is a contiguous partition: item i belongs to category i // ITEMS_PER_CATEGORY
    item_cat = jnp.arange(NUM_ITEMS) // ITEMS_PER_CATEGORY
    # BEMB_item.log_likelihood_all_items(..., return_logit=True) with variational means:
    # Y[seed, session, item] = theta_user_item[user] . alpha_item, num_seeds = 1
    Y = (theta_user_item[user_index] @ alpha_item.T)[None, :, :]  # [1, S, I]
    # BEMB_category.log_likelihood(..., return_logit=True):
    W = (theta_user_cat[user_index] @ alpha_category.T)[None, :, :]  # [1, S, C]
    lambdas = lambda_weight  # shared_lambda=False
    # Y[:, :, Bk] /= lambdas[k]
    Ys = Y / lambdas[item_cat][None, None, :]
    # inclusive_value[k] = logsumexp(Y[:, :, Bk], dim=-1) -> segment logsumexp over items
    inc = _segment_logsumexp(Ys[0].T, item_cat, NUM_CATEGORIES)  # [C, S]
    I_full = inc[item_cat].T[None, :, :]  # [1, S, I]
    logP_item = Ys - I_full
    # logit[:, :, Bk] = W[:, :, k] + lambdas[k] * inclusive_value[k]
    logit = (W[0][:, item_cat] + lambdas[item_cat][None, :] * inc[item_cat].T)[None, :, :]  # [1, S, I]
    # cols = first item of each category; faithful to original: logit[:, cols] indexes dim=1
    cols = jnp.arange(NUM_CATEGORIES) * ITEMS_PER_CATEGORY
    lse = jax.scipy.special.logsumexp(logit[:, cols, :], axis=1, keepdims=True)  # [1, 1, I]
    logP_category = logit - lse
    logP = logP_item + logP_category
    return jnp.squeeze(logP, axis=0)  # [S, I]

if __name__ == "__main__":
    import jax
    _d = setup_inputs()
    print(jax.jit(kernel)(*tuple(_d.values())))

</pallas_src>

<mosaic_0001>
#map = affine_map<(d0, d1) -> (0, 0)>
#map1 = affine_map<(d0, d1) -> (0)>
module attributes {stable_mosaic.version = 14 : i64} {
  func.func @_sc_gather_body(%arg0: i32, %arg1: i32, %arg2: memref<100000x128xf32, #tpu.memory_space<hbm>>, %arg3: memref<100000x128xf32, #tpu.memory_space<hbm>>, %arg4: memref<8192xi32, #tpu.memory_space<hbm>>, %arg5: memref<8192x128xf32, #tpu.memory_space<hbm>>, %arg6: memref<8192x128xf32, #tpu.memory_space<hbm>>, %arg7: memref<256xi32, #tpu.memory_space<vmem>>, %arg8: memref<256x128xf32, #tpu.memory_space<vmem>>, %arg9: memref<256x128xf32, #tpu.memory_space<vmem>>, %arg10: memref<!tpu.dma_semaphore, #tpu.memory_space<semaphore_mem>>, %arg11: memref<!tpu.dma_semaphore, #tpu.memory_space<semaphore_mem>>) attributes {dimension_semantics = [#tpu.dimension_semantics<core_parallel>, #tpu.dimension_semantics<subcore_parallel>], iteration_bounds = array<i64: 2, 16>, scalar_prefetch = 0 : i64, scratch_operands = 5 : i64, tpu.core_type = #tpu.core_type<sc_vector_subcore>, window_params = [{transform_indices = #map}, {transform_indices = #map}, {transform_indices = #map1}, {transform_indices = #map}, {transform_indices = #map}]} {
    %mul3A = arith.constant 2 : i32
    %mul3A_0 = arith.muli %arg1, %mul3A : i32
    %add3A = arith.addi %mul3A_0, %arg0 : i32
    %mul3A_1 = arith.constant 256 : i32
    %mul3A_2 = arith.muli %add3A, %mul3A_1 : i32
    "tpu.region"() ({
      %run_scoped3A = tpu.sem_alloc : memref<!tpu.dma_semaphore, #tpu.memory_space<semaphore_mem>>
      %dma_start3A_29 = tpu.memref_slice %arg4[%mul3A_2] : memref<8192xi32, #tpu.memory_space<hbm>> -> memref<256xi32, #tpu.memory_space<hbm>>
      %dma_start3A_30 = tpu.memref_slice %arg4[%mul3A_2] : memref<8192xi32, #tpu.memory_space<hbm>> -> memref<256xi32, #tpu.memory_space<hbm>>
      tpu.enqueue_dma source(%dma_start3A_30 : memref<256xi32, #tpu.memory_space<hbm>>) target(%arg7 : memref<256xi32, #tpu.memory_space<vmem>>) target_semaphore(%run_scoped3A : memref<!tpu.dma_semaphore, #tpu.memory_space<semaphore_mem>>)
      %dma_wait3A_31 = tpu.memref_slice %arg4[%mul3A_2] : memref<8192xi32, #tpu.memory_space<hbm>> -> memref<256xi32, #tpu.memory_space<hbm>>
      %dma_wait3A_32 = tpu.memref_slice %arg4[%mul3A_2] : memref<8192xi32, #tpu.memory_space<hbm>> -> memref<256xi32, #tpu.memory_space<hbm>>
      tpu.wait_dma2 semaphore(%run_scoped3A : memref<!tpu.dma_semaphore, #tpu.memory_space<semaphore_mem>>) src(%dma_wait3A_32 : memref<256xi32, #tpu.memory_space<hbm>>) dst(%arg7 : memref<256xi32, #tpu.memory_space<vmem>>)
      tpu.yield
    }) : () -> ()
    %dma_start3A = arith.constant 0 : i32
    %dma_start3A_3 = arith.constant 0 : i32
    %dma_start3A_4 = tpu.memref_slice %arg2[%dma_start3A, %dma_start3A_3] : memref<100000x128xf32, #tpu.memory_space<hbm>> -> memref<100000x128xf32, #tpu.memory_space<hbm>>
    tpu.enqueue_indirect_dma source(%dma_start3A_4 : memref<100000x128xf32, #tpu.memory_space<hbm>>) target(%arg8 : memref<256x128xf32, #tpu.memory_space<vmem>>) offsets(%arg7 : memref<256xi32, #tpu.memory_space<vmem>>) semaphore(%arg10 : memref<!tpu.dma_semaphore, #tpu.memory_space<semaphore_mem>>)
    %dma_start3A_5 = arith.constant 0 : i32
    %dma_start3A_6 = arith.constant 0 : i32
    %dma_start3A_7 = tpu.memref_slice %arg3[%dma_start3A_5, %dma_start3A_6] : memref<100000x128xf32, #tpu.memory_space<hbm>> -> memref<100000x128xf32, #tpu.memory_space<hbm>>
    tpu.enqueue_indirect_dma source(%dma_start3A_7 : memref<100000x128xf32, #tpu.memory_space<hbm>>) target(%arg9 : memref<256x128xf32, #tpu.memory_space<vmem>>) offsets(%arg7 : memref<256xi32, #tpu.memory_space<vmem>>) semaphore(%arg11 : memref<!tpu.dma_semaphore, #tpu.memory_space<semaphore_mem>>)
    %dma_wait3A = arith.constant 0 : i32
    %dma_wait3A_8 = arith.constant 0 : i32
    %dma_wait3A_9 = tpu.memref_slice %arg2[%dma_wait3A, %dma_wait3A_8] : memref<100000x128xf32, #tpu.memory_space<hbm>> -> memref<100000x128xf32, #tpu.memory_space<hbm>>
    tpu.wait_indirect_dma semaphore(%arg10 : memref<!tpu.dma_semaphore, #tpu.memory_space<semaphore_mem>>) src(%dma_wait3A_9 : memref<100000x128xf32, #tpu.memory_space<hbm>>) dst(%arg8 : memref<256x128xf32, #tpu.memory_space<vmem>>)
    %dma_start3A_10 = arith.constant 0 : i32
    %dma_start3A_11 = tpu.memref_slice %arg5[%mul3A_2, %dma_start3A_10] : memref<8192x128xf32, #tpu.memory_space<hbm>> -> memref<256x128xf32, #tpu.memory_space<hbm>>
    %dma_start3A_12 = arith.constant 0 : i32
    %dma_start3A_13 = tpu.memref_slice %arg5[%mul3A_2, %dma_start3A_12] : memref<8192x128xf32, #tpu.memory_space<hbm>> -> memref<256x128xf32, #tpu.memory_space<hbm>>
    tpu.enqueue_dma source(%arg8 : memref<256x128xf32, #tpu.memory_space<vmem>>) target(%dma_start3A_13 : memref<256x128xf32, #tpu.memory_space<hbm>>) target_semaphore(%arg10 : memref<!tpu.dma_semaphore, #tpu.memory_space<semaphore_mem>>)
    %dma_wait3A_14 = arith.constant 0 : i32
    %dma_wait3A_15 = arith.constant 0 : i32
    %dma_wait3A_16 = tpu.memref_slice %arg3[%dma_wait3A_14, %dma_wait3A_15] : memref<100000x128xf32, #tpu.memory_space<hbm>> -> memref<100000x128xf32, #tpu.memory_space<hbm>>
    tpu.wait_indirect_dma semaphore(%arg11 : memref<!tpu.dma_semaphore, #tpu.memory_space<semaphore_mem>>) src(%dma_wait3A_16 : memref<100000x128xf32, #tpu.memory_space<hbm>>) dst(%arg9 : memref<256x128xf32, #tpu.memory_space<vmem>>)
    %dma_start3A_17 = arith.constant 0 : i32
    %dma_start3A_18 = tpu.memref_slice %arg6[%mul3A_2, %dma_start3A_17] : memref<8192x128xf32, #tpu.memory_space<hbm>> -> memref<256x128xf32, #tpu.memory_space<hbm>>
    %dma_start3A_19 = arith.constant 0 : i32
    %dma_start3A_20 = tpu.memref_slice %arg6[%mul3A_2, %dma_start3A_19] : memref<8192x128xf32, #tpu.memory_space<hbm>> -> memref<256x128xf32, #tpu.memory_space<hbm>>
    tpu.enqueue_dma source(%arg9 : memref<256x128xf32, #tpu.memory_space<vmem>>) target(%dma_start3A_20 : memref<256x128xf32, #tpu.memory_space<hbm>>) target_semaphore(%arg11 : memref<!tpu.dma_semaphore, #tpu.memory_space<semaphore_mem>>)
    %dma_wait3A_21 = arith.constant 0 : i32
    %dma_wait3A_22 = tpu.memref_slice %arg5[%mul3A_2, %dma_wait3A_21] : memref<8192x128xf32, #tpu.memory_space<hbm>> -> memref<256x128xf32, #tpu.memory_space<hbm>>
    %dma_wait3A_23 = arith.constant 0 : i32
    %dma_wait3A_24 = tpu.memref_slice %arg5[%mul3A_2, %dma_wait3A_23] : memref<8192x128xf32, #tpu.memory_space<hbm>> -> memref<256x128xf32, #tpu.memory_space<hbm>>
    tpu.wait_dma2 semaphore(%arg10 : memref<!tpu.dma_semaphore, #tpu.memory_space<semaphore_mem>>) src(%arg8 : memref<256x128xf32, #tpu.memory_space<vmem>>) dst(%dma_wait3A_24 : memref<256x128xf32, #tpu.memory_space<hbm>>)
    %dma_wait3A_25 = arith.constant 0 : i32
    %dma_wait3A_26 = tpu.memref_slice %arg6[%mul3A_2, %dma_wait3A_25] : memref<8192x128xf32, #tpu.memory_space<hbm>> -> memref<256x128xf32, #tpu.memory_space<hbm>>
    %dma_wait3A_27 = arith.constant 0 : i32
    %dma_wait3A_28 = tpu.memref_slice %arg6[%mul3A_2, %dma_wait3A_27] : memref<8192x128xf32, #tpu.memory_space<hbm>> -> memref<256x128xf32, #tpu.memory_space<hbm>>
    tpu.wait_dma2 semaphore(%arg11 : memref<!tpu.dma_semaphore, #tpu.memory_space<semaphore_mem>>) src(%arg9 : memref<256x128xf32, #tpu.memory_space<vmem>>) dst(%dma_wait3A_28 : memref<256x128xf32, #tpu.memory_space<hbm>>)
    return
  }
}

module attributes {stable_mosaic.version = 14 : i64} {
  func.func @_tc_body(%arg0: i32, %arg1: memref<1024x128xf32, #tpu.memory_space<vmem>>, %arg2: memref<1024x128xf32, #tpu.memory_space<vmem>>, %arg3: memref<1000x128xf32, #tpu.memory_space<vmem>>, %arg4: memref<50x128xf32, #tpu.memory_space<vmem>>, %arg5: memref<1x50xf32, #tpu.memory_space<vmem>>, %arg6: memref<1000x50xbf16, #tpu.memory_space<vmem>>, %arg7: memref<50x1000xbf16, #tpu.memory_space<vmem>>, %arg8: memref<50x1024xf32, #tpu.memory_space<vmem>>, %arg9: memref<1024x1000xf32, #tpu.memory_space<vmem>>, %arg10: memref<128x1000xbf16, #tpu.memory_space<vmem>>, %arg11: memref<128x50xbf16, #tpu.memory_space<vmem>>, %arg12: memref<1x50xf32, #tpu.memory_space<vmem>>) attributes {dimension_semantics = [#tpu.dimension_semantics<arbitrary>], iteration_bounds = array<i64: 8>, scalar_prefetch = 0 : i64, scratch_operands = 3 : i64, tpu.core_type = #tpu.core_type<tc>, window_params = [{transform_indices = @transform_0, window_bounds = array<i64: 1024, 128>}, {transform_indices = @transform_1, window_bounds = array<i64: 1024, 128>}, {pipeline_mode = #tpu.pipeline_mode<synchronous>, transform_indices = @transform_2, window_bounds = array<i64: 1000, 128>}, {pipeline_mode = #tpu.pipeline_mode<synchronous>, transform_indices = @transform_3, window_bounds = array<i64: 50, 128>}, {pipeline_mode = #tpu.pipeline_mode<synchronous>, transform_indices = @transform_4, window_bounds = array<i64: 1, 50>}, {pipeline_mode = #tpu.pipeline_mode<synchronous>, transform_indices = @transform_5, window_bounds = array<i64: 1000, 50>}, {pipeline_mode = #tpu.pipeline_mode<synchronous>, transform_indices = @transform_6, window_bounds = array<i64: 50, 1000>}, {pipeline_mode = #tpu.pipeline_mode<synchronous>, transform_indices = @transform_7, window_bounds = array<i64: 50, 1024>}, {transform_indices = @transform_8, window_bounds = array<i64: 1024, 1000>}]} {
    %eq3A = arith.constant 0 : i32
    %eq3A_0 = arith.cmpi eq, %arg0, %eq3A : i32
    %convert_element_type3A = arith.extui %eq3A_0 : i1 to i32
    %cond3A = arith.constant 0 : i32
    %cond3A_1 = arith.cmpi ne, %convert_element_type3A, %cond3A : i32
    scf.if %cond3A_1 {
      %get3A_51 = arith.constant 0 : index
      %get3A_52 = arith.constant 0 : index
      %get3A_53 = vector.load %arg5[%get3A_51, %get3A_52] : memref<1x50xf32, #tpu.memory_space<vmem>>, vector<1x50xf32>
      %div3A_54 = arith.constant 1.000000e+00 : f32
      %div3A_55 = vector.broadcast %div3A_54 : f32 to vector<1x50xf32>
      %div3A_56 = arith.divf %div3A_55, %get3A_53 : vector<1x50xf32>
      %transpose3A = tpu.transpose %div3A_56, [1, 0] : vector<1x50xf32> -> vector<50x1xf32>
      %convert_element_type3A_57 = arith.truncf %transpose3A : vector<50x1xf32> to vector<50x1xbf16>
      %convert_element_type3A_58 = arith.extf %convert_element_type3A_57 : vector<50x1xbf16> to vector<50x1xf32>
      %sub3A_59 = arith.subf %transpose3A, %convert_element_type3A_58 : vector<50x1xf32>
      %convert_element_type3A_60 = arith.truncf %sub3A_59 : vector<50x1xf32> to vector<50x1xbf16>
      %get3A_61 = arith.constant 0 : index
      %get3A_62 = arith.constant 0 : index
      %get3A_63 = vector.load %arg6[%get3A_61, %get3A_62] : memref<1000x50xbf16, #tpu.memory_space<vmem>>, vector<1000x50xbf16>
      %dot_general3A_64 = arith.constant dense<0.000000e+00> : vector<1000x1xf32>
      %dot_general3A_65 = tpu.matmul %get3A_63, %convert_element_type3A_57, %dot_general3A_64 {dimension_numbers = #tpu.dot_dimension_numbers<[1], [0], [0], [1], [0, 0, 1, 1], [], []>, transpose_lhs_hint = false} : vector<1000x50xbf16>, vector<50x1xbf16>, vector<1000x1xf32> -> vector<1000x1xf32>
      %get3A_66 = arith.constant 0 : index
      %get3A_67 = arith.constant 0 : index
      %get3A_68 = vector.load %arg6[%get3A_66, %get3A_67] : memref<1000x50xbf16, #tpu.memory_space<vmem>>, vector<1000x50xbf16>
      %dot_general3A_69 = arith.constant dense<0.000000e+00> : vector<1000x1xf32>
      %dot_general3A_70 = tpu.matmul %get3A_68, %convert_element_type3A_60, %dot_general3A_69 {dimension_numbers = #tpu.dot_dimension_numbers<[1], [0], [0], [1], [0, 0, 1, 1], [], []>, transpose_lhs_hint = false} : vector<1000x50xbf16>, vector<50x1xbf16>, vector<1000x1xf32> -> vector<1000x1xf32>
      %add3A_71 = arith.addf %dot_general3A_65, %dot_general3A_70 : vector<1000x1xf32>
      %get3A_72 = arith.constant 0 : index
      %get3A_73 = arith.constant 0 : index
      %get3A_74 = vector.load %arg3[%get3A_72, %get3A_73] : memref<1000x128xf32, #tpu.memory_space<vmem>>, vector<1000x128xf32>
      %mul3A_75 = vector.broadcast %add3A_71 : vector<1000x1xf32> to vector<1000x128xf32>
      %mul3A_76 = arith.mulf %get3A_74, %mul3A_75 : vector<1000x128xf32>
      %transpose3A_77 = tpu.transpose %mul3A_76, [1, 0] : vector<1000x128xf32> -> vector<128x1000xf32>
      %convert_element_type3A_78 = arith.truncf %transpose3A_77 : vector<128x1000xf32> to vector<128x1000xbf16>
      %swap3A_79 = arith.constant 0 : index
      %swap3A_80 = arith.constant 0 : index
      %swap3A_81 = vector.load %arg10[%swap3A_79, %swap3A_80] : memref<128x1000xbf16, #tpu.memory_space<vmem>>, vector<128x1000xbf16>
      tpu.vector_store %arg10[%swap3A_79, %swap3A_80], %convert_element_type3A_78 {strides = array<i32>} : memref<128x1000xbf16, #tpu.memory_space<vmem>>, vector<128x1000xbf16>,
      %get3A_82 = arith.constant 0 : index
      %get3A_83 = arith.constant 0 : index
      %get3A_84 = vector.load %arg4[%get3A_82, %get3A_83] : memref<50x128xf32, #tpu.memory_space<vmem>>, vector<50x128xf32>
      %transpose3A_85 = tpu.transpose %get3A_84, [1, 0] : vector<50x128xf32> -> vector<128x50xf32>
      %convert_element_type3A_86 = arith.truncf %transpose3A_85 : vector<128x50xf32> to vector<128x50xbf16>
      %swap3A_87 = arith.constant 0 : index
      %swap3A_88 = arith.constant 0 : index
      %swap3A_89 = vector.load %arg11[%swap3A_87, %swap3A_88] : memref<128x50xbf16, #tpu.memory_space<vmem>>, vector<128x50xbf16>
      tpu.vector_store %arg11[%swap3A_87, %swap3A_88], %convert_element_type3A_86 {strides = array<i32>} : memref<128x50xbf16, #tpu.memory_space<vmem>>, vector<128x50xbf16>,
      %get3A_90 = arith.constant 0 : index
      %get3A_91 = arith.constant 0 : index
      %get3A_92 = vector.load %arg8[%get3A_90, %get3A_91] : memref<50x1024xf32, #tpu.memory_space<vmem>>, vector<50x1024xf32>
      %convert_element_type3A_93 = arith.truncf %get3A_92 : vector<50x1024xf32> to vector<50x1024xbf16>
      %get3A_94 = arith.constant 0 : index
      %get3A_95 = arith.constant 0 : index
      %get3A_96 = vector.load %arg1[%get3A_94, %get3A_95] : memref<1024x128xf32, #tpu.memory_space<vmem>>, vector<1024x128xf32>
      %convert_element_type3A_97 = arith.truncf %get3A_96 : vector<1024x128xf32> to vector<1024x128xbf16>
      %convert_element_type3A_98 = arith.extf %convert_element_type3A_97 : vector<1024x128xbf16> to vector<1024x128xf32>
      %sub3A_99 = arith.subf %get3A_96, %convert_element_type3A_98 : vector<1024x128xf32>
      %convert_element_type3A_100 = arith.truncf %sub3A_99 : vector<1024x128xf32> to vector<1024x128xbf16>
      %dot_general3A_101 = arith.constant dense<0.000000e+00> : vector<50x128xf32>
      %dot_general3A_102 = tpu.matmul %convert_element_type3A_93, %convert_element_type3A_97, %dot_general3A_101 {dimension_numbers = #tpu.dot_dimension_numbers<[1], [0], [0], [1], [0, 0, 1, 1], [], []>, transpose_lhs_hint = false} : vector<50x1024xbf16>, vector<1024x128xbf16>, vector<50x128xf32> -> vector<50x128xf32>
      %dot_general3A_103 = arith.constant dense<0.000000e+00> : vector<50x128xf32>
      %dot_general3A_104 = tpu.matmul %convert_element_type3A_93, %convert_element_type3A_100, %dot_general3A_103 {dimension_numbers = #tpu.dot_dimension_numbers<[1], [0], [0], [1], [0, 0, 1, 1], [], []>, transpose_lhs_hint = false} : vector<50x1024xbf16>, vector<1024x128xbf16>, vector<50x128xf32> -> vector<50x128xf32>
      %add3A_105 = arith.addf %dot_general3A_102, %dot_general3A_104 : vector<50x128xf32>
      %get3A_106 = arith.constant 0 : index
      %get3A_107 = arith.constant 0 : index
      %get3A_108 = vector.load %arg2[%get3A_106, %get3A_107] : memref<1024x128xf32, #tpu.memory_space<vmem>>, vector<1024x128xf32>
      %convert_element_type3A_109 = arith.truncf %get3A_108 : vector<1024x128xf32> to vector<1024x128xbf16>
      %convert_element_type3A_110 = arith.extf %convert_element_type3A_109 : vector<1024x128xbf16> to vector<1024x128xf32>
      %sub3A_111 = arith.subf %get3A_108, %convert_element_type3A_110 : vector<1024x128xf32>
      %convert_element_type3A_112 = arith.truncf %sub3A_111 : vector<1024x128xf32> to vector<1024x128xbf16>
      %dot_general3A_113 = arith.constant dense<0.000000e+00> : vector<50x128xf32>
      %dot_general3A_114 = tpu.matmul %convert_element_type3A_93, %convert_element_type3A_109, %dot_general3A_113 {dimension_numbers = #tpu.dot_dimension_numbers<[1], [0], [0], [1], [0, 0, 1, 1], [], []>, transpose_lhs_hint = false} : vector<50x1024xbf16>, vector<1024x128xbf16>, vector<50x128xf32> -> vector<50x128xf32>
      %dot_general3A_115 = arith.constant dense<0.000000e+00> : vector<50x128xf32>
      %dot_general3A_116 = tpu.matmul %convert_element_type3A_93, %convert_element_type3A_112, %dot_general3A_115 {dimension_numbers = #tpu.dot_dimension_numbers<[1], [0], [0], [1], [0, 0, 1, 1], [], []>, transpose_lhs_hint = false} : vector<50x1024xbf16>, vector<1024x128xbf16>, vector<50x128xf32> -> vector<50x128xf32>
      %add3A_117 = arith.addf %dot_general3A_114, %dot_general3A_116 : vector<50x128xf32>
      %convert_element_type3A_118 = arith.truncf %add3A_105 : vector<50x128xf32> to vector<50x128xbf16>
      %get3A_119 = arith.constant 0 : index
      %get3A_120 = arith.constant 0 : index
      %get3A_121 = vector.load %arg10[%get3A_119, %get3A_120] : memref<128x1000xbf16, #tpu.memory_space<vmem>>, vector<128x1000xbf16>
      %dot_general3A_122 = arith.constant dense<0.000000e+00> : vector<50x1000xf32>
      %dot_general3A_123 = tpu.matmul %convert_element_type3A_118, %get3A_121, %dot_general3A_122 {dimension_numbers = #tpu.dot_dimension_numbers<[1], [0], [0], [1], [0, 0, 1, 1], [], []>, transpose_lhs_hint = false} : vector<50x128xbf16>, vector<128x1000xbf16>, vector<50x1000xf32> -> vector<50x1000xf32>
      %exp3A_124 = math.exp %dot_general3A_123 : vector<50x1000xf32>
      %convert_element_type3A_125 = arith.truncf %exp3A_124 : vector<50x1000xf32> to vector<50x1000xbf16>
      %get3A_126 = arith.constant 0 : index
      %get3A_127 = arith.constant 0 : index
      %get3A_128 = vector.load %arg6[%get3A_126, %get3A_127] : memref<1000x50xbf16, #tpu.memory_space<vmem>>, vector<1000x50xbf16>
      %dot_general3A_129 = arith.constant dense<0.000000e+00> : vector<50x50xf32>
      %dot_general3A_130 = tpu.matmul %convert_element_type3A_125, %get3A_128, %dot_general3A_129 {dimension_numbers = #tpu.dot_dimension_numbers<[1], [0], [0], [1], [0, 0, 1, 1], [], []>, transpose_lhs_hint = false} : vector<50x1000xbf16>, vector<1000x50xbf16>, vector<50x50xf32> -> vector<50x50xf32>
      %log3A_131 = math.log %dot_general3A_130 : vector<50x50xf32>
      %convert_element_type3A_132 = arith.truncf %add3A_117 : vector<50x128xf32> to vector<50x128xbf16>
      %get3A_133 = arith.constant 0 : index
      %get3A_134 = arith.constant 0 : index
      %get3A_135 = vector.load %arg11[%get3A_133, %get3A_134] : memref<128x50xbf16, #tpu.memory_space<vmem>>, vector<128x50xbf16>
      %dot_general3A_136 = arith.constant dense<0.000000e+00> : vector<50x50xf32>
      %dot_general3A_137 = tpu.matmul %convert_element_type3A_132, %get3A_135, %dot_general3A_136 {dimension_numbers = #tpu.dot_dimension_numbers<[1], [0], [0], [1], [0, 0, 1, 1], [], []>, transpose_lhs_hint = false} : vector<50x128xbf16>, vector<128x50xbf16>, vector<50x50xf32> -> vector<50x50xf32>
      %get3A_138 = arith.constant 0 : index
      %get3A_139 = arith.constant 0 : index
      %get3A_140 = vector.load %arg5[%get3A_138, %get3A_139] : memref<1x50xf32, #tpu.memory_space<vmem>>, vector<1x50xf32>
      %mul3A_141 = vector.broadcast %get3A_140 : vector<1x50xf32> to vector<50x50xf32>
      %mul3A_142 = arith.mulf %mul3A_141, %log3A_131 : vector<50x50xf32>
      %add3A_143 = arith.addf %dot_general3A_137, %mul3A_142 : vector<50x50xf32>
      %exp3A_144 = math.exp %add3A_143 : vector<50x50xf32>
      %reduce_sum3A_145 = arith.constant dense<0.000000e+00> : vector<50xf32>
      %reduce_sum3A_146 = vector.multi_reduction <add>, %exp3A_144, %reduce_sum3A_145 [0] : vector<50x50xf32> to vector<50xf32>
      %broadcast_in_dim3A_147 = vector.shape_cast %reduce_sum3A_146 : vector<50xf32> to vector<1x50xf32>
      %log3A_148 = math.log %broadcast_in_dim3A_147 : vector<1x50xf32>
      %swap3A_149 = arith.constant 0 : index
      %swap3A_150 = arith.constant 0 : index
      %swap3A_151 = vector.load %arg12[%swap3A_149, %swap3A_150] : memref<1x50xf32, #tpu.memory_space<vmem>>, vector<1x50xf32>
      tpu.vector_store %arg12[%swap3A_149, %swap3A_150], %log3A_148 {strides = array<i32>} : memref<1x50xf32, #tpu.memory_space<vmem>>, vector<1x50xf32>,
    } else {
    }
    %get3A = arith.constant 0 : index
    %get3A_2 = arith.constant 0 : index
    %get3A_3 = vector.load %arg1[%get3A, %get3A_2] : memref<1024x128xf32, #tpu.memory_space<vmem>>, vector<1024x128xf32>
    %convert_element_type3A_4 = arith.truncf %get3A_3 : vector<1024x128xf32> to vector<1024x128xbf16>
    %get3A_5 = arith.constant 0 : index
    %get3A_6 = arith.constant 0 : index
    %get3A_7 = vector.load %arg10[%get3A_5, %get3A_6] : memref<128x1000xbf16, #tpu.memory_space<vmem>>, vector<128x1000xbf16>
    %dot_general3A = arith.constant dense<0.000000e+00> : vector<1024x1000xf32>
    %dot_general3A_8 = tpu.matmul %convert_element_type3A_4, %get3A_7, %dot_general3A {dimension_numbers = #tpu.dot_dimension_numbers<[1], [0], [0], [1], [0, 0, 1, 1], [], []>, transpose_lhs_hint = false} : vector<1024x128xbf16>, vector<128x1000xbf16>, vector<1024x1000xf32> -> vector<1024x1000xf32>
    %exp3A = math.exp %dot_general3A_8 : vector<1024x1000xf32>
    %convert_element_type3A_9 = arith.truncf %exp3A : vector<1024x1000xf32> to vector<1024x1000xbf16>
    %get3A_10 = arith.constant 0 : index
    %get3A_11 = arith.constant 0 : index
    %get3A_12 = vector.load %arg6[%get3A_10, %get3A_11] : memref<1000x50xbf16, #tpu.memory_space<vmem>>, vector<1000x50xbf16>
    %dot_general3A_13 = arith.constant dense<0.000000e+00> : vector<1024x50xf32>
    %dot_general3A_14 = tpu.matmul %convert_element_type3A_9, %get3A_12, %dot_general3A_13 {dimension_numbers = #tpu.dot_dimension_numbers<[1], [0], [0], [1], [0, 0, 1, 1], [], []>, transpose_lhs_hint = false} : vector<1024x1000xbf16>, vector<1000x50xbf16>, vector<1024x50xf32> -> vector<1024x50xf32>
    %log3A = math.log %dot_general3A_14 : vector<1024x50xf32>
    %get3A_15 = arith.constant 0 : index
    %get3A_16 = arith.constant 0 : index
    %get3A_17 = vector.load %arg2[%get3A_15, %get3A_16] : memref<1024x128xf32, #tpu.memory_space<vmem>>, vector<1024x128xf32>
    %convert_element_type3A_18 = arith.truncf %get3A_17 : vector<1024x128xf32> to vector<1024x128xbf16>
    %get3A_19 = arith.constant 0 : index
    %get3A_20 = arith.constant 0 : index
    %get3A_21 = vector.load %arg11[%get3A_19, %get3A_20] : memref<128x50xbf16, #tpu.memory_space<vmem>>, vector<128x50xbf16>
    %dot_general3A_22 = arith.constant dense<0.000000e+00> : vector<1024x50xf32>
    %dot_general3A_23 = tpu.matmul %convert_element_type3A_18, %get3A_21, %dot_general3A_22 {dimension_numbers = #tpu.dot_dimension_numbers<[1], [0], [0], [1], [0, 0, 1, 1], [], []>, transpose_lhs_hint = false} : vector<1024x128xbf16>, vector<128x50xbf16>, vector<1024x50xf32> -> vector<1024x50xf32>
    %get3A_24 = arith.constant 0 : index
    %get3A_25 = arith.constant 0 : index
    %get3A_26 = vector.load %arg5[%get3A_24, %get3A_25] : memref<1x50xf32, #tpu.memory_space<vmem>>, vector<1x50xf32>
    %sub3A = arith.constant 1.000000e+00 : f32
    %sub3A_27 = vector.broadcast %sub3A : f32 to vector<1x50xf32>
    %sub3A_28 = arith.subf %get3A_26, %sub3A_27 : vector<1x50xf32>
    %mul3A = vector.broadcast %sub3A_28 : vector<1x50xf32> to vector<1024x50xf32>
    %mul3A_29 = arith.mulf %mul3A, %log3A : vector<1024x50xf32>
    %add3A = arith.addf %mul3A_29, %dot_general3A_23 : vector<1024x50xf32>
    %get3A_30 = arith.constant 0 : index
    %get3A_31 = arith.constant 0 : index
    %get3A_32 = vector.load %arg12[%get3A_30, %get3A_31] : memref<1x50xf32, #tpu.memory_space<vmem>>, vector<1x50xf32>
    %sub3A_33 = vector.broadcast %get3A_32 : vector<1x50xf32> to vector<1024x50xf32>
    %sub3A_34 = arith.subf %add3A, %sub3A_33 : vector<1024x50xf32>
    %reduce_sum3A = arith.constant dense<0.000000e+00> : vector<1024xf32>
    %reduce_sum3A_35 = vector.multi_reduction <add>, %sub3A_34, %reduce_sum3A [1] : vector<1024x50xf32> to vector<1024xf32>
    %broadcast_in_dim3A = vector.shape_cast %reduce_sum3A_35 : vector<1024xf32> to vector<1024x1xf32>
    %div3A = arith.constant 5.000000e+01 : f32
    %div3A_36 = vector.broadcast %div3A : f32 to vector<1024x1xf32>
    %div3A_37 = arith.divf %broadcast_in_dim3A, %div3A_36 : vector<1024x1xf32>
    %sub3A_38 = vector.broadcast %div3A_37 : vector<1024x1xf32> to vector<1024x50xf32>
    %sub3A_39 = arith.subf %sub3A_34, %sub3A_38 : vector<1024x50xf32>
    %convert_element_type3A_40 = arith.truncf %sub3A_39 : vector<1024x50xf32> to vector<1024x50xbf16>
    %get3A_41 = arith.constant 0 : index
    %get3A_42 = arith.constant 0 : index
    %get3A_43 = vector.load %arg7[%get3A_41, %get3A_42] : memref<50x1000xbf16, #tpu.memory_space<vmem>>, vector<50x1000xbf16>
    %dot_general3A_44 = arith.constant dense<0.000000e+00> : vector<1024x1000xf32>
    %dot_general3A_45 = tpu.matmul %convert_element_type3A_40, %get3A_43, %dot_general3A_44 {dimension_numbers = #tpu.dot_dimension_numbers<[1], [0], [0], [1], [0, 0, 1, 1], [], []>, transpose_lhs_hint = false} : vector<1024x50xbf16>, vector<50x1000xbf16>, vector<1024x1000xf32> -> vector<1024x1000xf32>
    %add3A_46 = vector.broadcast %div3A_37 : vector<1024x1xf32> to vector<1024x1000xf32>
    %add3A_47 = arith.addf %dot_general3A_8, %add3A_46 : vector<1024x1000xf32>
    %add3A_48 = arith.addf %add3A_47, %dot_general3A_45 : vector<1024x1000xf32>
    %swap3A = arith.constant 0 : index
    %swap3A_49 = arith.constant 0 : index
    %swap3A_50 = vector.load %arg9[%swap3A, %swap3A_49] : memref<1024x1000xf32, #tpu.memory_space<vmem>>, vector<1024x1000xf32>
    tpu.vector_store %arg9[%swap3A, %swap3A_49], %add3A_48 {strides = array<i32>} : memref<1024x1000xf32, #tpu.memory_space<vmem>>, vector<1024x1000xf32>,
    return
  }
  func.func @transform_0(%arg0: i32) -> (i32, i32) {
    %c0_i32 = arith.constant 0 : i32
    %c0_i32_0 = arith.constant 0 : i32
    return %arg0, %c0_i32 : i32, i32
  }
  func.func @transform_1(%arg0: i32) -> (i32, i32) {
    %c0_i32 = arith.constant 0 : i32
    %c0_i32_0 = arith.constant 0 : i32
    return %arg0, %c0_i32 : i32, i32
  }
  func.func @transform_2(%arg0: i32) -> (i32, i32) {
    %c0_i32 = arith.constant 0 : i32
    %c0_i32_0 = arith.constant 0 : i32
    %c0_i32_1 = arith.constant 0 : i32
    return %c0_i32, %c0_i32_0 : i32, i32
  }
  func.func @transform_3(%arg0: i32) -> (i32, i32) {
    %c0_i32 = arith.constant 0 : i32
    %c0_i32_0 = arith.constant 0 : i32
    %c0_i32_1 = arith.constant 0 : i32
    return %c0_i32, %c0_i32_0 : i32, i32
  }
  func.func @transform_4(%arg0: i32) -> (i32, i32) {
    %c0_i32 = arith.constant 0 : i32
    %c0_i32_0 = arith.constant 0 : i32
    %c0_i32_1 = arith.constant 0 : i32
    return %c0_i32, %c0_i32_0 : i32, i32
  }
  func.func @transform_5(%arg0: i32) -> (i32, i32) {
    %c0_i32 = arith.constant 0 : i32
    %c0_i32_0 = arith.constant 0 : i32
    %c0_i32_1 = arith.constant 0 : i32
    return %c0_i32, %c0_i32_0 : i32, i32
  }
  func.func @transform_6(%arg0: i32) -> (i32, i32) {
    %c0_i32 = arith.constant 0 : i32
    %c0_i32_0 = arith.constant 0 : i32
    %c0_i32_1 = arith.constant 0 : i32
    return %c0_i32, %c0_i32_0 : i32, i32
  }
  func.func @transform_7(%arg0: i32) -> (i32, i32) {
    %c0_i32 = arith.constant 0 : i32
    %c0_i32_0 = arith.constant 0 : i32
    %c0_i32_1 = arith.constant 0 : i32
    return %c0_i32, %c0_i32_0 : i32, i32
  }
  func.func @transform_8(%arg0: i32) -> (i32, i32) {
    %c0_i32 = arith.constant 0 : i32
    %c0_i32_0 = arith.constant 0 : i32
    return %arg0, %c0_i32 : i32, i32
  }
}

</mosaic_0001>

<sc_bundles>
// kernel: kernel.4.cloned.1.call-start
scs
__scs_entry_jumppad:
0x0: {  	(pc) =	sbr.rel $0x88, $3  }
0x1: {  	(tag) =	ssettag $0x0;
	lr =	simm.s32 $0x1  }
0x2: {  	[smem:$0x3F9B] =	sst lr;
	_ =	strace $0xD0000000  }
0x3: {  	_ = 	snop  }
0x4: {  	_ = 	snop  }
0x5: {  	_ = 	snop  }
0x6: {  	_ = 	snop  }
0x7: {  	_ = 	snop  }
__scs_overlays_trampoline_lowered:
0x8: {  	[smem:$0x3FAA] =	sst s0  }
0x9: {  	[smem:$0x3FAB] =	sst s1  }
0xa: {  	[smem:$0x3FAC] =	sst s2  }
0xb: {  	[smem:$0x3FAD] =	sst s3  }
0xc: {  	[smem:$0x3FAE] =	sst s4  }
0xd: {  	[smem:$0x3FAF] =	sst s5  }
0xe: {  	[smem:$0x3FB0] =	sst s6  }
0xf: {  	[smem:$0x3FB1] =	sst s7  }
0x10: {  	[smem:$0x3FB2] =	sst s8  }
0x11: {  	[smem:$0x3FB3] =	sst s9;
	s0 =	simm.s32 @!p0 $0x0  }
0x12: {  	s1 =	sld [smem:$0x3F99];
	s0 =	simm.s32 @p0 $0x1  }
0x13: {  	[smem:$0x3FB4] =	sst s0;
	s0 =	simm.s32 @!p1 $0x0  }
0x14: {  	s2 =	sld [smem:$0x3F98];
	s0 =	simm.s32 @p1 $0x1  }
0x15: {  	[smem:$0x3FB5] =	sst s0;
	s0 =	simm.s32 @!p2 $0x0  }
0x16: {  	s3 =	sld [smem:$0x3FDB];
	s0 =	simm.s32 @p2 $0x1  }
0x17: {  	s4 =	simm.s32 $0x1BF5;
	[smem:$0x3FB7] =	sst s0  }
0x18: {  	s0 =	sld [smem:$0x3F9A];
	_ =	swait.ge [sflag:s4], $0x0  }
0x19: {  	s7 =	sld [smem:$0x3F9B]  }
0x1a: {  	s8 =	sadd.s32 $0xFFFFE003, lr  }
0x1b: {  	s9 =	sadd.s32 $0xFFFFFEF7, lr;
	s5 =	simm.s32 $0xFFFFFFFF;
	p2 =	slt.u32 s8, $0xFFFFF086  }
0x1c: {  	p1 =	slt.u32 s9, $0xF7A;
	s5 =	simm.s32 @!p2 $0x0  }
0x1d: {  	s5 =	simm.s32 @p1 $0x1;
	p0 =	seq.s32 s7, s2  }
0x1e: {  	s7 =	smul.u32 @!p0 $0xF7A, s2;
	p2 =	seq.s32 @!p0 s5, $0x0  }
0x1f: {  	s9 =	smul.u32 $0xF7A, s1;
	s8 =	simm.s32 @!p0 $0x1BF5;
	p2 =	por !p2, p0  }
0x20: {  	[sflag:s8] =	ssyncset.s32 @!p0 $0xFFFFF086;
	s6 =	sadd.s32 @!p0 s3, s7;
	s7 =	simm.s32 @!p0 $0x108  }
0x21: {  	s3 =	sadd.s32 s3, s9;
	s6 =	sadd.s32 @!p0 $0x88, s6;
	s7 =	simm.s32 @p2 $0x1082  }
0x22: {  	[simem:s7], [sflag:s8] =	dma.local @!p0 [hbm:s6], $0xF7A  }
0x23: {  	s9 =	sor.u32 $0xD0000000, s2;
	s6 =	simm.s32 $0x108;
	_ =	swait.ge @!p0 [sflag:s8], $0x0  }
0x24: {  	s3 =	sadd.s32 $0x88, s3;
	s6 =	simm.s32 @!p1 $0x1082;
	[sflag:s4] =	ssyncset.s32 $0xFFFFF086  }
0x25: {  	[simem:s6], [sflag:s4] =	dma.local [hbm:s3], $0xF7A  }
0x26: {  	[smem:$0x3F9B] =	sst s1;
	(tag) =	ssettag s2;
	_ =	strace s9  }
0x27: {  	s1 =	sld [smem:$0x3FAB]  }
0x28: {  	s2 =	sld [smem:$0x3FAC]  }
0x29: {  	s4 =	sld [smem:$0x3FAE]  }
0x2a: {  	p0 =	seq.s32 s5, $0x0;
	s5 =	sld [smem:$0x3FAF]  }
0x2b: {  	s6 =	sld [smem:$0x3FB0]  }
0x2c: {  	s7 =	sld [smem:$0x3FB1]  }
0x2d: {  	s3 =	simm.s32 $0x108;
	s8 =	sld [smem:$0x3FB2]  }
0x2e: {  	s3 =	simm.s32 @!p0 $0x1082;
	s9 =	sld [smem:$0x3FB3]  }
0x2f: {  	lr =	sadd.s32 s0, s3;
	s0 =	sld [smem:$0x3FAA]  }
0x30: {  	s3 =	sld [smem:$0x3FAD]  }
0x31: {  	[smem:$0x3FB6] =	sst s10  }
0x32: {  	s10 =	sld [smem:$0x3FB4];
	_ =	sdelay $0x3  }
0x33: {  	p0 =	seq.s32 s10, $0x1;
	s10 =	sld [smem:$0x3FB6];
	_ =	sdelay $0x3  }
0x34: {  	[smem:$0x3FB6] =	sst s10  }
0x35: {  	s10 =	sld [smem:$0x3FB5];
	_ =	sdelay $0x3  }
0x36: {  	p1 =	seq.s32 s10, $0x1;
	s10 =	sld [smem:$0x3FB6];
	_ =	sdelay $0x3  }
0x37: {  	[smem:$0x3FB6] =	sst s10  }
0x38: {  	s10 =	sld [smem:$0x3FB7]  }
0x39: {  	_ = 	snop;
	(pc) =	sbr.ind lr, $3  }
0x3a: {  	_ = 	snop  }
0x3b: {  	_ = 	snop  }
0x3c: {  	p2 =	seq.s32 s10, $0x1;
	s10 =	sld [smem:$0x3FB6]  }
0x3d: {  	_ =	shalt  }
0x3e: {  	_ =	shalt  }
0x3f: {  	_ =	shalt  }
0x40: {  	_ =	shalt  }
0x41: {  	_ =	shalt  }
0x42: {  	_ =	shalt  }
0x43: {  	_ =	shalt  }
0x44: {  	_ =	shalt  }
0x45: {  	_ =	shalt  }
0x46: {  	_ =	shalt  }
0x47: {  	_ =	shalt  }
0x48: {  	_ =	shalt  }
0x49: {  	_ =	shalt  }
0x4a: {  	_ =	shalt  }
0x4b: {  	_ =	shalt  }
0x4c: {  	_ =	shalt  }
0x4d: {  	_ =	shalt  }
0x4e: {  	_ =	shalt  }
0x4f: {  	_ =	shalt  }
0x50: {  	_ =	shalt  }
0x51: {  	_ =	shalt  }
0x52: {  	_ =	shalt  }
0x53: {  	_ =	shalt  }
0x54: {  	_ =	shalt  }
0x55: {  	_ =	shalt  }
0x56: {  	_ =	shalt  }
0x57: {  	_ =	shalt  }
0x58: {  	_ =	shalt  }
0x59: {  	_ =	shalt  }
0x5a: {  	_ =	shalt  }
0x5b: {  	_ =	shalt  }
0x5c: {  	_ =	shalt  }
0x5d: {  	_ =	shalt  }
0x5e: {  	_ =	shalt  }
0x5f: {  	_ =	shalt  }
0x60: {  	_ =	shalt  }
0x61: {  	_ =	shalt  }
0x62: {  	_ =	shalt  }
0x63: {  	_ =	shalt  }
0x64: {  	_ =	shalt  }
0x65: {  	_ =	shalt  }
0x66: {  	_ =	shalt  }
0x67: {  	_ =	shalt  }
0x68: {  	_ =	shalt  }
0x69: {  	_ =	shalt  }
0x6a: {  	_ =	shalt  }
0x6b: {  	_ =	shalt  }
0x6c: {  	_ =	shalt  }
0x6d: {  	_ =	shalt  }
0x6e: {  	_ =	shalt  }
0x6f: {  	_ =	shalt  }
0x70: {  	_ =	shalt  }
0x71: {  	_ =	shalt  }
0x72: {  	_ =	shalt  }
0x73: {  	_ =	shalt  }
0x74: {  	_ =	shalt  }
0x75: {  	_ =	shalt  }
0x76: {  	_ =	shalt  }
0x77: {  	_ =	shalt  }
0x78: {  	_ =	shalt  }
0x79: {  	_ =	shalt  }
0x7a: {  	_ =	shalt  }
0x7b: {  	_ =	shalt  }
0x7c: {  	_ =	shalt  }
0x7d: {  	_ =	shalt  }
0x7e: {  	_ =	shalt  }
0x7f: {  	_ =	shalt  }
0x80: {  	_ =	shalt  }
0x81: {  	_ =	shalt  }
0x82: {  	_ =	shalt  }
0x83: {  	_ =	shalt  }
0x84: {  	_ =	shalt  }
0x85: {  	_ =	shalt  }
0x86: {  	_ =	shalt  }
0x87: {  	_ =	shalt  }
.Lfunc_end0:
.L_simem_size_0:
called_computation_lowered:
.L_overlay_start_0:
0x88: {  	s2 =	sld [smem:$0x3FD9]  }
0x89: {  	s3 =	sld [smem:$0x3FFE];
	_ =	sdelay $0x1  }
0x8a: {  	s1 =	srdreg.scid  }
0x8b: {  	s0 =	sand.u32 $0x1, s1  }
0x8c: {  	s17 =	sshll.u32 s0, $0xA;
	s2 =	sadd.s32 s3, s2  }
0x8d: {  	s2 =	sadd.s32 s2, s17  }
0x8e: {  	[smem:$0x3FC2] =	sst s2  }
0x8f: {  	_ = 	snop  }
0x90: {  	s2 =	sld [smem:$0x3FC9]  }
0x91: {  	s18 =	sld [smem:$0x3FC8]  }
0x92: {  	s4 =	sld [smem:$0x3FC6]  }
0x93: {  	s5 =	sld [smem:$0x3FD0];
	(tm) =	ssettm $0x1  }
0x94: {  	s6 =	sld [smem:$0x3FFB];
	_ =	sdelay $0x3  }
0x95: {  	_ =	strace s6  }
0x96: {  	s6 =	sld [smem:$0x3FFC];
	_ =	sdelay $0x3  }
0x97: {  	_ =	strace s6  }
0x98: {  	s6 =	sld [smem:$0x3FFD];
	_ =	sdelay $0x3  }
0x99: {  	_ =	strace s6  }
0x9a: {  	_ =	strace $0x8FFFFFFF  }
0x9b: {  	s19 =	sld [smem:$0x3FDB];
	_ =	sdelay $0x1  }
0x9c: {  	s7 =	simm.s32 $_scs_section_size  }
0x9d: {  	s8 =	simm.s32 $_size__tile_overlayer_lowered;
	s9 =	simm.s32 $_tile_overlayer_lowered  }
0x9e: {  	s22 =	simm.s32 $0x1BFF;
	s21 =	sshll.u32 s9, $0x1;
	s6 =	sadd.s32 s7, s19  }
0x9f: {  	s10 =	simm.s32 $0x0;
	s20 =	sshll.u32 s8, $0x1;
	s8 =	sadd.s32 s21, s6  }
0xa0: {  	[timem:s10], [sflag:s22] =	dma.local [hbm:s8], s20  }
0xa1: {  	_ =	swait.ge [sflag:s22], s20  }
0xa2: {  	s7 =	ssub.s32 $0x0, s20;
	[sflag:s22] =	ssyncset.done $0x0  }
0xa3: {  	[sflag:s22] =	ssyncadd.s32 s7;
	_ =	sdelay $0x1  }
0xa4: {  	s23 =	simm.s32 $0x1B8B  }
0xa5: {  	_ =	swait.ge [sflag:s23], $0x1  }
0xa6: {  	[sflag:s23] =	ssyncset.done $0x0  }
0xa7: {  	s25 =	simm.s32 $0x1B8E;
	s24 =	sld [smem:$0x3FFE];
	[sflag:s23] =	ssyncadd.s32 $0xFFFFFFFF  }
0xa8: {  	s26 =	simm.s32 $execute0_lowered;
	[smem:$0x3FD2] =	sst s25  }
0xa9: {  	s8 =	sshll.u32 s26, $0x1;
	_ =	strace $0x80000046;
	[dreg:$0x1] =	wrdreg $0xFFFFFFFF  }
0xaa: {  	s28 =	simm.s32 $_size_execute0_lowered;
	s6 =	sadd.s32 s6, s8;
	[dreg:$0x0] =	wrdreg $0x0  }
0xab: {  	s8 =	sshll.u32 s28, $0x1;
	[dreg:$0x2] =	wrdreg s6  }
0xac: {  	[dreg:$0x3] =	wrdreg s8  }
0xad: {  	[dreg:$0x4] =	wrdreg $0xC0  }
0xae: {  	_ =	task [dreg:s10], $0x5FFFF  }
0xaf: {  	[dreg:$0x1] =	wrdreg $0xFFFFFFFF  }
0xb0: {  	[dreg:$0x0] =	wrdreg $0x60  }
0xb1: {  	[dreg:$0x2] =	wrdreg s18  }
0xb2: {  	[dreg:$0x3] =	wrdreg s4  }
0xb3: {  	[dreg:$0x4] =	wrdreg s2  }
0xb4: {  	[dreg:$0x5] =	wrdreg s5  }
0xb5: {  	[dreg:$0x6] =	wrdreg s24  }
0xb6: {  	[dreg:$0x7] =	wrdreg $0x9  }
0xb7: {  	_ =	task.clear_ibuf [dreg:s10], $0x8FFFF;
	_ =	strace $0x90000046  }
0xb8: {  	s29 =	simm.s32 $0x9;
	_ =	strace $0x80000048  }
0xb9: {  	_ =	swait.ge [sflag:s29], $0x1  }
0xba: {  	[sflag:s29] =	ssyncadd.s32 $0xFFFFFFFF  }
0xbb: {  	_ =	strace $0x90000048  }
0xbc: {  	_ =	sfence  }
0xbd: {  	s30 =	sld [smem:$0x0];
	_ =	sdelay $0x2  }
0xbe: {  	s31 =	sshll.u32 s1, $0xD;
	s1 =	sshrl.u32 s1, $0x2  }
0xbf: {  	s3 =	sand.u32 $0x4000, s31;
	s1 =	sadd.s32 s1, s30  }
0xc0: {  	s0 =	sor.u32 s3, s0;
	s1 =	sshll.u32 s1, $0x11  }
0xc1: {  	s0 =	sor.u32 s1, s0  }
0xc2: {  	s0 =	sadd.s32 $0x8F2B, s0  }
0xc3: {  	[sflag:s0] =	ssyncadd.remote.s32 $0x1  }
0xc4: {  	_ =	sfence.sel $0xFFFF  }
0xc5: {  	[dreg:$0x0] =	wrdreg $0xFFFFFFFF;
	(pc) =	sbr.abs _section_cstart, $3  }
0xc6: {  	[dreg:$0x1] =	wrdreg $0xFFFFFFFF  }
0xc7: {  	_ =	task.clear_ibuf [dreg:s10], $0x2FFFF;
	_ =	strace $0x9FFFFFFF  }
0xc8: {  	(tm) =	ssettm $0x7FFFFFFF  }
0xc9: {  	_ =	shalt  }
tec
execute0_lowered:
.L_overlay_start_1:
0x0: {  	(tag) =	ssettag $0x1  }
0x1: {  	s1 =	rddreg [dreg:$0x0]  }
0x2: {  	s2 =	rddreg [dreg:$0x1]  }
0x3: {  	s5 =	rddreg [dreg:$0x2];
	s3 =	srdreg.scid  }
0x4: {  	s10 =	rddreg [dreg:$0x3];
	s0 =	stileid.u32;
	s12 =	sand.u32 $0x1, s3  }
0x5: {  	s13 =	rddreg [dreg:$0x4];
	s6 =	sshll.u32 s0, $0x9;
	s7 =	sshll.u32 s12, $0x8  }
0x6: {  	s4 =	simm.s32 $0x0;
	s3 =	rddreg [dreg:$0x5];
	s11 =	sor.u32 s7, s6  }
0x7: {  	[smem:$0x7FF] =	sst s4;
	s6 =	sshrl.u32 s11, $0x3  }
0x8: {  	_ =	strace $0x80000047;
	s5 =	sadd.s32 s5, s6;
	s6 =	simm.s32 $0x3  }
0x9: {  	[tilespmem:s4], [sflag:$0x3] =	stream.linear.gather [hbm4b:s5+s4], $0x100, $0x38;
	[tilespmem:$0x10100] =	vst v63  }
0xa: {  	_ =	swait.ge [sflag:s6], $0x100  }
0xb: {  	[sflag:s6] =	ssyncset.done $0x0  }
0xc: {  	s7 =	simm.s32 $0x100;
	[sflag:s6] =	ssyncadd.s32 $0xFFFFFF00  }
0xd: {  	[tilespmem:s7], [sflag:$0x1] =	stream.indirect.gather [hbm4b:s1+s7], $0x80, s4, s7, $0xb8;
	[tilespmem:$0x10100] =	vst v63  }
0xe: {  	s8 =	simm.s32 $0x8100;
	s9 =	simm.s32 $0x1  }
0xf: {  	[tilespmem:s8], [sflag:$0x2] =	stream.indirect.gather [hbm4b:s2+s7], $0x80, s4, s7, $0xb8;
	[tilespmem:$0x10100] =	vst v63  }
0x10: {  	s30 =	ssub.s32 $0x2, s12;
	s14 =	sshll.u32 s11, $0x4;
	_ =	swait.ge [sflag:s9], $0x8000  }
0x11: {  	s31 =	sshrl.u32 s30, $0x1;
	s11 =	sadd.s32 s10, s14;
	[sflag:s9] =	ssyncset.done $0x0  }
0x12: {  	s10 =	simm.s32 $0x2;
	s13 =	sadd.s32 s14, s13;
	[sflag:s9] =	ssyncadd.s32 $0xFFFF8000  }
0x13: {  	[hbm4b:s11+s4] =	stream.linear.scatter [tilespmem:s7], [sflag:$0x1], $0x8000, $0x38;
	[tilespmem:$0x10100] =	vst v63  }
0x14: {  	s12 =	sadd.s32 $0x1800, s13;
	s13 =	ssub.s32 s30, s31;
	_ =	swait.ge [sflag:s10], $0x8000  }
0x15: {  	s13 =	smax.u32 s13, $0x1;
	[sflag:s10] =	ssyncset.done $0x0  }
0x16: {  	p0 =	sne.s32 s13, $0x1;
	[sflag:s10] =	ssyncadd.s32 $0xFFFF8000  }
0x17: {  	[hbm4b:s12+s4] =	stream.linear.scatter [tilespmem:s8], [sflag:$0x2], $0x8000, $0x38;
	[tilespmem:$0x10100] =	vst v63  }
.Ltmp0:
0x18: {  	_ =	swait.ge [sflag:s9], $0x8000;
	(pc) =	sbr.rel @!p0 .LBB2_2-.Ltmp0, $4  }
0x19: {  	[sflag:s9] =	ssyncset.done $0x0  }
0x1a: {  	[sflag:s9] =	ssyncadd.s32 $0xFFFF8000  }
0x1b: {  	_ =	swait.ge [sflag:s10], $0x8000  }
0x1c: {  	s13 =	sadd.s32 $0xFFFFFFFF, s13;
	[sflag:s10] =	ssyncset.done $0x0  }
.LBB2_1:
0x1d: {  	p0 =	sne.s32 s13, $0x1;
	s13 =	sadd.s32 $0xFFFFFFFF, s13;
	[sflag:s10] =	ssyncadd.s32 $0xFFFF8000  }
0x1e: {  	[tilespmem:s4], [sflag:$0x3] =	stream.linear.gather [hbm4b:s5+s4], $0x100, $0x38;
	[tilespmem:$0x10100] =	vst v63  }
0x1f: {  	_ =	swait.ge [sflag:s6], $0x100  }
0x20: {  	[sflag:s6] =	ssyncset.done $0x0  }
0x21: {  	[sflag:s6] =	ssyncadd.s32 $0xFFFFFF00  }
0x22: {  	[tilespmem:s7], [sflag:$0x1] =	stream.indirect.gather [hbm4b:s1+s7], $0x80, s4, s7, $0xb8;
	[tilespmem:$0x10100] =	vst v63  }
0x23: {  	_ = 	snop  }
0x24: {  	[tilespmem:s8], [sflag:$0x2] =	stream.indirect.gather [hbm4b:s2+s7], $0x80, s4, s7, $0xb8;
	[tilespmem:$0x10100] =	vst v63  }
0x25: {  	_ =	swait.ge [sflag:s9], $0x8000  }
0x26: {  	[sflag:s9] =	ssyncset.done $0x0  }
0x27: {  	[sflag:s9] =	ssyncadd.s32 $0xFFFF8000  }
0x28: {  	[hbm4b:s11+s4] =	stream.linear.scatter [tilespmem:s7], [sflag:$0x1], $0x8000, $0x38;
	[tilespmem:$0x10100] =	vst v63  }
0x29: {  	_ =	swait.ge [sflag:s10], $0x8000  }
0x2a: {  	[sflag:s10] =	ssyncset.done $0x0  }
0x2b: {  	[sflag:s10] =	ssyncadd.s32 $0xFFFF8000  }
0x2c: {  	[hbm4b:s12+s4] =	stream.linear.scatter [tilespmem:s8], [sflag:$0x2], $0x8000, $0x38;
	[tilespmem:$0x10100] =	vst v63  }
.Ltmp1:
0x2d: {  	_ =	swait.ge [sflag:s9], $0x8000;
	(pc) =	sbr.rel @p0 .LBB2_1-.Ltmp1, $4  }
0x2e: {  	[sflag:s9] =	ssyncset.done $0x0  }
0x2f: {  	[sflag:s9] =	ssyncadd.s32 $0xFFFF8000  }
0x30: {  	_ =	swait.ge [sflag:s10], $0x8000  }
0x31: {  	[sflag:s10] =	ssyncset.done $0x0  }
.LBB2_2:
0x32: {  	[sflag:s10] =	ssyncadd.s32 $0xFFFF8000  }
0x33: {  	_ =	sfence.sel $0x180000  }
0x34: {  	[bflag:$0x0] =	sbarrier.arrive $0xFFFF  }
0x35: {  	p0 =	sne.s32 s0, $0x0;
	_ =	strace $0x90000047  }
0x36: {  	s0 =	sadd.s32 @!p0 $0x100000, s3;
	[bflag:$0x2] =	sbarrier.arrive $0xFFFF  }
0x37: {  	[sflag:s0] =	ssyncadd.tile.s32 @!p0 $0x1;
	_ =	shalt  }
.Lfunc_end2:
_tile_overlayer_lowered:
.L_overlay_start_2:
0x38: {  	(tag) =	ssettag $0x2  }
0x39: {  	s0 =	rddreg [dreg:$0x0];
	s2 =	stileid.u32  }
0x3a: {  	s1 =	rddreg [dreg:$0x1];
	p0 =	sne.s32 s2, $0x0  }
0x3b: {  	s3 =	rddreg [dreg:$0x2];
	[bflag:$0x3] =	sbarrier.arrive $0xFFFF;
	s2 =	simm.s32 @!p0 $0x1C03  }
0x3c: {  	[timem:s3], [sflag:s2] =	dma.local @!p0 [hbm:s0], s1  }
0x3d: {  	s0 =	simm.s32 @!p0 $0x3  }
0x3e: {  	_ =	swait.ge @!p0 [sflag:s0], s1  }
0x3f: {  	s1 =	ssub.s32 @!p0 $0x0, s1;
	[sflag:s0] =	ssyncset.done @!p0 $0x0  }
0x40: {  	[sflag:s0] =	ssyncadd.s32 @!p0 s1  }
0x41: {  	[bflag:$0x3] =	sbarrier.arrive $0xFFFF  }
0x42: {  	_ =	shalt  }

</sc_bundles>
